<compile_context>
chip_gen: v7x
topology: tpu7x:2x2x1
jax: 0.10.2.dev20260603
libtpu: 0.0.44.dev20260713+nightly
codegen_flags: <defaults>
</compile_context>

<pallas_src>
import functools

import jax
import jax.numpy as jnp
from jax import lax
from jax.experimental import pallas as pl
from jax.experimental.pallas import tpu as pltpu
from jax.experimental.pallas import tpu_sc as plsc

VOCAB = 100000
DIM = 128
BATCH = 1024

V_TILE = 4096
CHUNK = 1024
N_STEPS = -(-VOCAB // V_TILE)
N_CHUNKS = V_TILE // CHUNK
TAIL = VOCAB - (N_STEPS - 1) * V_TILE
TAIL_CHUNKS = [CHUNK, TAIL - CHUNK]



@functools.cache
def _make_gather():
    info = plsc.get_sparse_core_info()
    nc, ns = info.num_cores, info.num_subcores
    nw = nc * ns
    b_per_w = BATCH // nw
    mesh = plsc.VectorSubcoreMesh(core_axis_name="c", subcore_axis_name="s")

    @functools.partial(
        pl.kernel,
        mesh=mesh,
        out_type=jax.ShapeDtypeStruct((BATCH, DIM), jnp.float32),
        scratch_types=[
            pltpu.VMEM((b_per_w,), jnp.int32),
            pltpu.VMEM((b_per_w, DIM), jnp.float32),
            pltpu.SemaphoreType.DMA,
        ],
    )
    def gather(idx_hbm, table_hbm, out_hbm, idx_v, rows_v, sem):
        wid = lax.axis_index("s") * nc + lax.axis_index("c")
        base = wid * b_per_w
        pltpu.sync_copy(idx_hbm.at[pl.ds(base, b_per_w)], idx_v)
        pltpu.async_copy(table_hbm.at[idx_v], rows_v, sem).wait()
        pltpu.sync_copy(rows_v, out_hbm.at[pl.ds(base, b_per_w)])

    return gather



def _proj_kernel(emb_ref, w_ref, b_ref, out_ref, embt_ref, bcol_ref,
                 obuf_ref, sems):
    i = pl.program_id(0)

    @pl.when(i == 0)
    def _():
        embt_ref[...] = emb_ref[...].T

    bcol_ref[...] = b_ref[...].reshape(V_TILE, 1)

    def _chunk_copy(slot, base, rows):
        return pltpu.make_async_copy(
            obuf_ref.at[slot, pl.ds(0, rows)],
            out_ref.at[pl.ds(base, rows), :],
            sems.at[slot],
        )

    def _do_chunk(sub, rows):
        @pl.when(i > 0)
        def _():
            _chunk_copy(sub, 0, CHUNK).wait()

        obuf_ref[sub, pl.ds(0, rows)] = lax.dot_general(
            w_ref[pl.ds(sub * CHUNK, rows), :], embt_ref[...],
            dimension_numbers=(((1,), (0,)), ((), ())),
            preferred_element_type=jnp.float32,
        ) + bcol_ref[pl.ds(sub * CHUNK, rows), :]
        _chunk_copy(sub, i * V_TILE + sub * CHUNK, rows).start()

    @pl.when(i < N_STEPS - 1)
    def _():
        for sub in range(N_CHUNKS):
            _do_chunk(sub, CHUNK)

    @pl.when(i == N_STEPS - 1)
    def _():
        for sub, rows in enumerate(TAIL_CHUNKS):
            _do_chunk(sub, rows)
        for sub in range(N_CHUNKS):
            rows = TAIL_CHUNKS[sub] if sub < len(TAIL_CHUNKS) else CHUNK
            _chunk_copy(sub, 0, rows).wait()


def _project(emb, lin_w, lin_b1d):
    return pl.pallas_call(
        _proj_kernel,
        grid=(N_STEPS,),
        in_specs=[
            pl.BlockSpec((BATCH, DIM), lambda i: (0, 0)),
            pl.BlockSpec((V_TILE, DIM), lambda i: (i, 0)),
            pl.BlockSpec((V_TILE,), lambda i: (i,)),
        ],
        out_specs=pl.BlockSpec(memory_space=pl.ANY),
        out_shape=jax.ShapeDtypeStruct((VOCAB, BATCH), jnp.float32),
        scratch_shapes=[
            pltpu.VMEM((DIM, BATCH), jnp.float32),
            pltpu.VMEM((V_TILE, 1), jnp.float32),
            pltpu.VMEM((N_CHUNKS, CHUNK, BATCH), jnp.float32),
            pltpu.SemaphoreType.DMA((N_CHUNKS,)),
        ],
    )(emb, lin_w, lin_b1d)


def kernel(input_ids, emb_table, lin_w, lin_b):
    emb = _make_gather()(input_ids, emb_table)
    out_t = _project(emb, lin_w, lin_b)
    return out_t.T

# --- scband reference (transcript-rebuilt; emitter-appended) ---
"""Pipeline reference for scband-vanilla-skipgram-15994458210637 (READ-ONLY COPY).

The authoritative reference and input builder live on the scoring server;
editing this copy changes nothing except your own understanding.
"""

import jax, jax.numpy as jnp
import numpy as np

VOCAB = 100000
DIM = 128
BATCH = 1024

def setup_inputs(seed: int = 0) -> dict:
    key = jax.random.key(seed)
    k_ids, k_emb, k_w, k_b = jax.random.split(key, 4)
    input_ids = jax.random.randint(k_ids, (BATCH,), 0, VOCAB, dtype=jnp.int64 if jax.config.jax_enable_x64 else jnp.int32).astype(jnp.int32)
    emb_table = jax.random.normal(k_emb, (VOCAB, DIM), dtype=jnp.float32)
    # torch nn.Linear: weight [out_features, in_features], bias [out_features]
    lin_w = jax.random.normal(k_w, (VOCAB, DIM), dtype=jnp.float32) * (1.0 / np.sqrt(DIM))
    lin_b = jax.random.normal(k_b, (VOCAB,), dtype=jnp.float32) * 0.01
    return {"input_ids": input_ids, "emb_table": emb_table, "lin_w": lin_w, "lin_b": lin_b}

def reference(input_ids, emb_table, lin_w, lin_b):
    # embedding lookup (gather)
    embeddings = jnp.take(emb_table, input_ids, axis=0)  # [B, DIM]
    # linear projection to vocab logits
    output = embeddings @ lin_w.T + lin_b  # [B, VOCAB]
    return output

if __name__ == "__main__":
    import jax
    _d = setup_inputs()
    print(jax.jit(kernel)(*tuple(_d.values())))

</pallas_src>

<mosaic_0001>
#map = affine_map<(d0, d1) -> (0)>
#map1 = affine_map<(d0, d1) -> (0, 0)>
module attributes {stable_mosaic.version = 14 : i64} {
  func.func @gather(%arg0: i32, %arg1: i32, %arg2: memref<1024xi32, #tpu.memory_space<hbm>>, %arg3: memref<100000x128xf32, #tpu.memory_space<hbm>>, %arg4: memref<1024x128xf32, #tpu.memory_space<hbm>>, %arg5: memref<32xi32, #tpu.memory_space<vmem>>, %arg6: memref<32x128xf32, #tpu.memory_space<vmem>>, %arg7: memref<!tpu.dma_semaphore, #tpu.memory_space<semaphore_mem>>) attributes {dimension_semantics = [#tpu.dimension_semantics<core_parallel>, #tpu.dimension_semantics<subcore_parallel>], iteration_bounds = array<i64: 2, 16>, scalar_prefetch = 0 : i64, scratch_operands = 3 : i64, tpu.core_type = #tpu.core_type<sc_vector_subcore>, window_params = [{transform_indices = #map}, {transform_indices = #map1}, {transform_indices = #map1}]} {
    %mul3A = arith.constant 2 : i32
    %mul3A_0 = arith.muli %arg1, %mul3A : i32
    %add3A = arith.addi %mul3A_0, %arg0 : i32
    %mul3A_1 = arith.constant 32 : i32
    %mul3A_2 = arith.muli %add3A, %mul3A_1 : i32
    "tpu.region"() ({
      %run_scoped3A = tpu.sem_alloc : memref<!tpu.dma_semaphore, #tpu.memory_space<semaphore_mem>>
      %dma_start3A_7 = tpu.memref_slice %arg2[%mul3A_2] : memref<1024xi32, #tpu.memory_space<hbm>> -> memref<32xi32, #tpu.memory_space<hbm>>
      %dma_start3A_8 = tpu.memref_slice %arg2[%mul3A_2] : memref<1024xi32, #tpu.memory_space<hbm>> -> memref<32xi32, #tpu.memory_space<hbm>>
      tpu.enqueue_dma source(%dma_start3A_8 : memref<32xi32, #tpu.memory_space<hbm>>) target(%arg5 : memref<32xi32, #tpu.memory_space<vmem>>) target_semaphore(%run_scoped3A : memref<!tpu.dma_semaphore, #tpu.memory_space<semaphore_mem>>)
      %dma_wait3A_9 = tpu.memref_slice %arg2[%mul3A_2] : memref<1024xi32, #tpu.memory_space<hbm>> -> memref<32xi32, #tpu.memory_space<hbm>>
      %dma_wait3A_10 = tpu.memref_slice %arg2[%mul3A_2] : memref<1024xi32, #tpu.memory_space<hbm>> -> memref<32xi32, #tpu.memory_space<hbm>>
      tpu.wait_dma2 semaphore(%run_scoped3A : memref<!tpu.dma_semaphore, #tpu.memory_space<semaphore_mem>>) src(%dma_wait3A_10 : memref<32xi32, #tpu.memory_space<hbm>>) dst(%arg5 : memref<32xi32, #tpu.memory_space<vmem>>)
      tpu.yield
    }) : () -> ()
    %dma_start3A = arith.constant 0 : i32
    %dma_start3A_3 = arith.constant 0 : i32
    %dma_start3A_4 = tpu.memref_slice %arg3[%dma_start3A, %dma_start3A_3] : memref<100000x128xf32, #tpu.memory_space<hbm>> -> memref<100000x128xf32, #tpu.memory_space<hbm>>
    tpu.enqueue_indirect_dma source(%dma_start3A_4 : memref<100000x128xf32, #tpu.memory_space<hbm>>) target(%arg6 : memref<32x128xf32, #tpu.memory_space<vmem>>) offsets(%arg5 : memref<32xi32, #tpu.memory_space<vmem>>) semaphore(%arg7 : memref<!tpu.dma_semaphore, #tpu.memory_space<semaphore_mem>>)
    %dma_wait3A = arith.constant 0 : i32
    %dma_wait3A_5 = arith.constant 0 : i32
    %dma_wait3A_6 = tpu.memref_slice %arg3[%dma_wait3A, %dma_wait3A_5] : memref<100000x128xf32, #tpu.memory_space<hbm>> -> memref<100000x128xf32, #tpu.memory_space<hbm>>
    tpu.wait_indirect_dma semaphore(%arg7 : memref<!tpu.dma_semaphore, #tpu.memory_space<semaphore_mem>>) src(%dma_wait3A_6 : memref<100000x128xf32, #tpu.memory_space<hbm>>) dst(%arg6 : memref<32x128xf32, #tpu.memory_space<vmem>>)
    "tpu.region"() ({
      %run_scoped3A = tpu.sem_alloc : memref<!tpu.dma_semaphore, #tpu.memory_space<semaphore_mem>>
      %dma_start3A_7 = arith.constant 0 : i32
      %dma_start3A_8 = tpu.memref_slice %arg4[%mul3A_2, %dma_start3A_7] : memref<1024x128xf32, #tpu.memory_space<hbm>> -> memref<32x128xf32, #tpu.memory_space<hbm>>
      %dma_start3A_9 = arith.constant 0 : i32
      %dma_start3A_10 = tpu.memref_slice %arg4[%mul3A_2, %dma_start3A_9] : memref<1024x128xf32, #tpu.memory_space<hbm>> -> memref<32x128xf32, #tpu.memory_space<hbm>>
      tpu.enqueue_dma source(%arg6 : memref<32x128xf32, #tpu.memory_space<vmem>>) target(%dma_start3A_10 : memref<32x128xf32, #tpu.memory_space<hbm>>) target_semaphore(%run_scoped3A : memref<!tpu.dma_semaphore, #tpu.memory_space<semaphore_mem>>)
      %dma_wait3A_11 = arith.constant 0 : i32
      %dma_wait3A_12 = tpu.memref_slice %arg4[%mul3A_2, %dma_wait3A_11] : memref<1024x128xf32, #tpu.memory_space<hbm>> -> memref<32x128xf32, #tpu.memory_space<hbm>>
      %dma_wait3A_13 = arith.constant 0 : i32
      %dma_wait3A_14 = tpu.memref_slice %arg4[%mul3A_2, %dma_wait3A_13] : memref<1024x128xf32, #tpu.memory_space<hbm>> -> memref<32x128xf32, #tpu.memory_space<hbm>>
      tpu.wait_dma2 semaphore(%run_scoped3A : memref<!tpu.dma_semaphore, #tpu.memory_space<semaphore_mem>>) src(%arg6 : memref<32x128xf32, #tpu.memory_space<vmem>>) dst(%dma_wait3A_14 : memref<32x128xf32, #tpu.memory_space<hbm>>)
      tpu.yield
    }) : () -> ()
    return
  }
}

module attributes {stable_mosaic.version = 14 : i64} {
  func.func @_proj_kernel(%arg0: i32, %arg1: memref<1024x128xf32, #tpu.memory_space<vmem>>, %arg2: memref<4096x128xf32, #tpu.memory_space<vmem>>, %arg3: memref<4096xf32, #tpu.memory_space<vmem>>, %arg4: memref<100000x1024xf32, #tpu.memory_space<any>>, %arg5: memref<128x1024xf32, #tpu.memory_space<vmem>>, %arg6: memref<4096x1xf32, #tpu.memory_space<vmem>>, %arg7: memref<4x1024x1024xf32, #tpu.memory_space<vmem>>, %arg8: memref<4x!tpu.dma_semaphore, #tpu.memory_space<semaphore_mem>>) attributes {dimension_semantics = [#tpu.dimension_semantics<arbitrary>], iteration_bounds = array<i64: 25>, scalar_prefetch = 0 : i64, scratch_operands = 4 : i64, tpu.core_type = #tpu.core_type<tc>, window_params = [{pipeline_mode = #tpu.pipeline_mode<synchronous>, transform_indices = @transform_0, window_bounds = array<i64: 1024, 128>}, {transform_indices = @transform_1, window_bounds = array<i64: 4096, 128>}, {transform_indices = @transform_2, window_bounds = array<i64: 4096>}, {}]} {
    %eq3A = arith.constant 0 : i32
    %eq3A_0 = arith.cmpi eq, %arg0, %eq3A : i32
    %convert_element_type3A = arith.extui %eq3A_0 : i1 to i32
    %cond3A = arith.constant 0 : i32
    %cond3A_1 = arith.cmpi ne, %convert_element_type3A, %cond3A : i32
    scf.if %cond3A_1 {
      %get3A_14 = arith.constant 0 : index
      %get3A_15 = arith.constant 0 : index
      %get3A_16 = vector.load %arg1[%get3A_14, %get3A_15] : memref<1024x128xf32, #tpu.memory_space<vmem>>, vector<1024x128xf32>
      %transpose3A = tpu.transpose %get3A_16, [1, 0] : vector<1024x128xf32> -> vector<128x1024xf32>
      %swap3A_17 = arith.constant 0 : index
      %swap3A_18 = arith.constant 0 : index
      %swap3A_19 = vector.load %arg5[%swap3A_17, %swap3A_18] : memref<128x1024xf32, #tpu.memory_space<vmem>>, vector<128x1024xf32>
      tpu.vector_store %arg5[%swap3A_17, %swap3A_18], %transpose3A {strides = array<i32>} : memref<128x1024xf32, #tpu.memory_space<vmem>>, vector<128x1024xf32>,
    } else {
    }
    %get3A = arith.constant 0 : index
    %get3A_2 = vector.load %arg3[%get3A] : memref<4096xf32, #tpu.memory_space<vmem>>, vector<4096xf32>
    %reshape3A = vector.shape_cast %get3A_2 : vector<4096xf32> to vector<4096x1xf32>
    %swap3A = arith.constant 0 : index
    %swap3A_3 = arith.constant 0 : index
    %swap3A_4 = vector.load %arg6[%swap3A, %swap3A_3] : memref<4096x1xf32, #tpu.memory_space<vmem>>, vector<4096x1xf32>
    tpu.vector_store %arg6[%swap3A, %swap3A_3], %reshape3A {strides = array<i32>} : memref<4096x1xf32, #tpu.memory_space<vmem>>, vector<4096x1xf32>,
    %lt3A = arith.constant 24 : i32
    %lt3A_5 = arith.cmpi slt, %arg0, %lt3A : i32
    %convert_element_type3A_6 = arith.extui %lt3A_5 : i1 to i32
    %cond3A_7 = arith.constant 0 : i32
    %cond3A_8 = arith.cmpi ne, %convert_element_type3A_6, %cond3A_7 : i32
    scf.if %cond3A_8 {
      %gt3A = arith.constant 0 : i32
      %gt3A_14 = arith.cmpi sgt, %arg0, %gt3A : i32
      %convert_element_type3A_15 = arith.extui %gt3A_14 : i1 to i32
      %cond3A_16 = arith.constant 0 : i32
      %cond3A_17 = arith.cmpi ne, %convert_element_type3A_15, %cond3A_16 : i32
      scf.if %cond3A_17 {
        %dma_wait3A = arith.constant 0 : i32
        %dma_wait3A_161 = arith.constant 0 : i32
        %dma_wait3A_162 = tpu.memref_slice %arg8[%dma_wait3A_161] : memref<4x!tpu.dma_semaphore, #tpu.memory_space<semaphore_mem>> -> memref<1x!tpu.dma_semaphore, #tpu.memory_space<semaphore_mem>>
        %dma_wait3A_163 = tpu.memref_squeeze %dma_wait3A_162 : memref<1x!tpu.dma_semaphore, #tpu.memory_space<semaphore_mem>> -> memref<!tpu.dma_semaphore, #tpu.memory_space<semaphore_mem>>
        %dma_wait3A_164 = arith.constant 0 : i32
        %dma_wait3A_165 = arith.constant 0 : i32
        %dma_wait3A_166 = tpu.memref_slice %arg4[%dma_wait3A_164, %dma_wait3A_165] : memref<100000x1024xf32, #tpu.memory_space<any>> -> memref<1024x1024xf32, #tpu.memory_space<any>>
        %dma_wait3A_167 = arith.constant 0 : i32
        %dma_wait3A_168 = arith.constant 0 : i32
        %dma_wait3A_169 = tpu.memref_slice %arg7[%dma_wait3A, %dma_wait3A_167, %dma_wait3A_168] : memref<4x1024x1024xf32, #tpu.memory_space<vmem>> -> memref<1x1024x1024xf32, #tpu.memory_space<vmem>>
        %dma_wait3A_170 = tpu.memref_squeeze %dma_wait3A_169 : memref<1x1024x1024xf32, #tpu.memory_space<vmem>> -> memref<1024x1024xf32, #tpu.memory_space<vmem>>
        tpu.wait_dma2 semaphore(%dma_wait3A_163 : memref<!tpu.dma_semaphore, #tpu.memory_space<semaphore_mem>>) src(%dma_wait3A_170 : memref<1024x1024xf32, #tpu.memory_space<vmem>>) dst(%dma_wait3A_166 : memref<1024x1024xf32, #tpu.memory_space<any>>)
      } else {
      }
      %get3A_18 = arith.constant 0 : index
      %get3A_19 = arith.constant 0 : index
      %get3A_20 = vector.load %arg2[%get3A_18, %get3A_19] : memref<4096x128xf32, #tpu.memory_space<vmem>>, vector<1024x128xf32>
      %get3A_21 = arith.constant 0 : index
      %get3A_22 = arith.constant 0 : index
      %get3A_23 = vector.load %arg5[%get3A_21, %get3A_22] : memref<128x1024xf32, #tpu.memory_space<vmem>>, vector<128x1024xf32>
      %dot_general3A = arith.constant dense<0.000000e+00> : vector<1024x1024xf32>
      %dot_general3A_24 = tpu.matmul %get3A_20, %get3A_23, %dot_general3A {dimension_numbers = #tpu.dot_dimension_numbers<[1], [0], [0], [1], [0, 0, 1, 1], [], []>, transpose_lhs_hint = false} : vector<1024x128xf32>, vector<128x1024xf32>, vector<1024x1024xf32> -> vector<1024x1024xf32>
      %get3A_25 = arith.constant 0 : index
      %get3A_26 = arith.constant 0 : index
      %get3A_27 = vector.load %arg6[%get3A_25, %get3A_26] : memref<4096x1xf32, #tpu.memory_space<vmem>>, vector<1024x1xf32>
      %add3A = vector.broadcast %get3A_27 : vector<1024x1xf32> to vector<1024x1024xf32>
      %add3A_28 = arith.addf %dot_general3A_24, %add3A : vector<1024x1024xf32>
      %swap3A_29 = arith.constant 0 : index
      %swap3A_30 = arith.constant 0 : index
      %swap3A_31 = arith.constant 0 : index
      %swap3A_32 = vector.load %arg7[%swap3A_29, %swap3A_30, %swap3A_31] : memref<4x1024x1024xf32, #tpu.memory_space<vmem>>, vector<1x1024x1024xf32>
      %swap3A_33 = vector.shape_cast %swap3A_32 : vector<1x1024x1024xf32> to vector<1024x1024xf32>
      %swap3A_34 = vector.shape_cast %add3A_28 : vector<1024x1024xf32> to vector<1x1024x1024xf32>
      tpu.vector_store %arg7[%swap3A_29, %swap3A_30, %swap3A_31], %swap3A_34 {strides = array<i32>} : memref<4x1024x1024xf32, #tpu.memory_space<vmem>>, vector<1x1024x1024xf32>,
      %mul3A = arith.constant 4096 : i32
      %mul3A_35 = arith.muli %arg0, %mul3A : i32
      %add3A_36 = arith.constant 0 : i32
      %add3A_37 = arith.addi %mul3A_35, %add3A_36 : i32
      %dma_start3A = arith.constant 0 : i32
      %dma_start3A_38 = arith.constant 0 : i32
      %dma_start3A_39 = tpu.memref_slice %arg8[%dma_start3A_38] : memref<4x!tpu.dma_semaphore, #tpu.memory_space<semaphore_mem>> -> memref<1x!tpu.dma_semaphore, #tpu.memory_space<semaphore_mem>>
      %dma_start3A_40 = tpu.memref_squeeze %dma_start3A_39 : memref<1x!tpu.dma_semaphore, #tpu.memory_space<semaphore_mem>> -> memref<!tpu.dma_semaphore, #tpu.memory_space<semaphore_mem>>
      %dma_start3A_41 = arith.constant 0 : i32
      %dma_start3A_42 = tpu.memref_slice %arg4[%add3A_37, %dma_start3A_41] : memref<100000x1024xf32, #tpu.memory_space<any>> -> memref<1024x1024xf32, #tpu.memory_space<any>>
      %dma_start3A_43 = arith.constant 0 : i32
      %dma_start3A_44 = arith.constant 0 : i32
      %dma_start3A_45 = tpu.memref_slice %arg7[%dma_start3A, %dma_start3A_43, %dma_start3A_44] : memref<4x1024x1024xf32, #tpu.memory_space<vmem>> -> memref<1x1024x1024xf32, #tpu.memory_space<vmem>>
      %dma_start3A_46 = tpu.memref_squeeze %dma_start3A_45 : memref<1x1024x1024xf32, #tpu.memory_space<vmem>> -> memref<1024x1024xf32, #tpu.memory_space<vmem>>
      tpu.enqueue_dma source(%dma_start3A_46 : memref<1024x1024xf32, #tpu.memory_space<vmem>>) target(%dma_start3A_42 : memref<1024x1024xf32, #tpu.memory_space<any>>) target_semaphore(%dma_start3A_40 : memref<!tpu.dma_semaphore, #tpu.memory_space<semaphore_mem>>)
      %gt3A_47 = arith.constant 0 : i32
      %gt3A_48 = arith.cmpi sgt, %arg0, %gt3A_47 : i32
      %convert_element_type3A_49 = arith.extui %gt3A_48 : i1 to i32
      %cond3A_50 = arith.constant 0 : i32
      %cond3A_51 = arith.cmpi ne, %convert_element_type3A_49, %cond3A_50 : i32
      scf.if %cond3A_51 {
        %dma_wait3A = arith.constant 1 : i32
        %dma_wait3A_161 = arith.constant 1 : i32
        %dma_wait3A_162 = tpu.memref_slice %arg8[%dma_wait3A_161] : memref<4x!tpu.dma_semaphore, #tpu.memory_space<semaphore_mem>> -> memref<1x!tpu.dma_semaphore, #tpu.memory_space<semaphore_mem>>
        %dma_wait3A_163 = tpu.memref_squeeze %dma_wait3A_162 : memref<1x!tpu.dma_semaphore, #tpu.memory_space<semaphore_mem>> -> memref<!tpu.dma_semaphore, #tpu.memory_space<semaphore_mem>>
        %dma_wait3A_164 = arith.constant 0 : i32
        %dma_wait3A_165 = arith.constant 0 : i32
        %dma_wait3A_166 = tpu.memref_slice %arg4[%dma_wait3A_164, %dma_wait3A_165] : memref<100000x1024xf32, #tpu.memory_space<any>> -> memref<1024x1024xf32, #tpu.memory_space<any>>
        %dma_wait3A_167 = arith.constant 0 : i32
        %dma_wait3A_168 = arith.constant 0 : i32
        %dma_wait3A_169 = tpu.memref_slice %arg7[%dma_wait3A, %dma_wait3A_167, %dma_wait3A_168] : memref<4x1024x1024xf32, #tpu.memory_space<vmem>> -> memref<1x1024x1024xf32, #tpu.memory_space<vmem>>
        %dma_wait3A_170 = tpu.memref_squeeze %dma_wait3A_169 : memref<1x1024x1024xf32, #tpu.memory_space<vmem>> -> memref<1024x1024xf32, #tpu.memory_space<vmem>>
        tpu.wait_dma2 semaphore(%dma_wait3A_163 : memref<!tpu.dma_semaphore, #tpu.memory_space<semaphore_mem>>) src(%dma_wait3A_170 : memref<1024x1024xf32, #tpu.memory_space<vmem>>) dst(%dma_wait3A_166 : memref<1024x1024xf32, #tpu.memory_space<any>>)
      } else {
      }
      %get3A_52 = arith.constant 1024 : index
      %get3A_53 = arith.constant 0 : index
      %get3A_54 = vector.load %arg2[%get3A_52, %get3A_53] : memref<4096x128xf32, #tpu.memory_space<vmem>>, vector<1024x128xf32>
      %get3A_55 = arith.constant 0 : index
      %get3A_56 = arith.constant 0 : index
      %get3A_57 = vector.load %arg5[%get3A_55, %get3A_56] : memref<128x1024xf32, #tpu.memory_space<vmem>>, vector<128x1024xf32>
      %dot_general3A_58 = arith.constant dense<0.000000e+00> : vector<1024x1024xf32>
      %dot_general3A_59 = tpu.matmul %get3A_54, %get3A_57, %dot_general3A_58 {dimension_numbers = #tpu.dot_dimension_numbers<[1], [0], [0], [1], [0, 0, 1, 1], [], []>, transpose_lhs_hint = false} : vector<1024x128xf32>, vector<128x1024xf32>, vector<1024x1024xf32> -> vector<1024x1024xf32>
      %get3A_60 = arith.constant 1024 : index
      %get3A_61 = arith.constant 0 : index
      %get3A_62 = vector.load %arg6[%get3A_60, %get3A_61] : memref<4096x1xf32, #tpu.memory_space<vmem>>, vector<1024x1xf32>
      %add3A_63 = vector.broadcast %get3A_62 : vector<1024x1xf32> to vector<1024x1024xf32>
      %add3A_64 = arith.addf %dot_general3A_59, %add3A_63 : vector<1024x1024xf32>
      %swap3A_65 = arith.constant 1 : index
      %swap3A_66 = arith.constant 0 : index
      %swap3A_67 = arith.constant 0 : index
      %swap3A_68 = vector.load %arg7[%swap3A_65, %swap3A_66, %swap3A_67] : memref<4x1024x1024xf32, #tpu.memory_space<vmem>>, vector<1x1024x1024xf32>
      %swap3A_69 = vector.shape_cast %swap3A_68 : vector<1x1024x1024xf32> to vector<1024x1024xf32>
      %swap3A_70 = vector.shape_cast %add3A_64 : vector<1024x1024xf32> to vector<1x1024x1024xf32>
      tpu.vector_store %arg7[%swap3A_65, %swap3A_66, %swap3A_67], %swap3A_70 {strides = array<i32>} : memref<4x1024x1024xf32, #tpu.memory_space<vmem>>, vector<1x1024x1024xf32>,
      %mul3A_71 = arith.constant 4096 : i32
      %mul3A_72 = arith.muli %arg0, %mul3A_71 : i32
      %add3A_73 = arith.constant 1024 : i32
      %add3A_74 = arith.addi %mul3A_72, %add3A_73 : i32
      %dma_start3A_75 = arith.constant 1 : i32
      %dma_start3A_76 = arith.constant 1 : i32
      %dma_start3A_77 = tpu.memref_slice %arg8[%dma_start3A_76] : memref<4x!tpu.dma_semaphore, #tpu.memory_space<semaphore_mem>> -> memref<1x!tpu.dma_semaphore, #tpu.memory_space<semaphore_mem>>
      %dma_start3A_78 = tpu.memref_squeeze %dma_start3A_77 : memref<1x!tpu.dma_semaphore, #tpu.memory_space<semaphore_mem>> -> memref<!tpu.dma_semaphore, #tpu.memory_space<semaphore_mem>>
      %dma_start3A_79 = arith.constant 0 : i32
      %dma_start3A_80 = tpu.memref_slice %arg4[%add3A_74, %dma_start3A_79] : memref<100000x1024xf32, #tpu.memory_space<any>> -> memref<1024x1024xf32, #tpu.memory_space<any>>
      %dma_start3A_81 = arith.constant 0 : i32
      %dma_start3A_82 = arith.constant 0 : i32
      %dma_start3A_83 = tpu.memref_slice %arg7[%dma_start3A_75, %dma_start3A_81, %dma_start3A_82] : memref<4x1024x1024xf32, #tpu.memory_space<vmem>> -> memref<1x1024x1024xf32, #tpu.memory_space<vmem>>
      %dma_start3A_84 = tpu.memref_squeeze %dma_start3A_83 : memref<1x1024x1024xf32, #tpu.memory_space<vmem>> -> memref<1024x1024xf32, #tpu.memory_space<vmem>>
      tpu.enqueue_dma source(%dma_start3A_84 : memref<1024x1024xf32, #tpu.memory_space<vmem>>) target(%dma_start3A_80 : memref<1024x1024xf32, #tpu.memory_space<any>>) target_semaphore(%dma_start3A_78 : memref<!tpu.dma_semaphore, #tpu.memory_space<semaphore_mem>>)
      %gt3A_85 = arith.constant 0 : i32
      %gt3A_86 = arith.cmpi sgt, %arg0, %gt3A_85 : i32
      %convert_element_type3A_87 = arith.extui %gt3A_86 : i1 to i32
      %cond3A_88 = arith.constant 0 : i32
      %cond3A_89 = arith.cmpi ne, %convert_element_type3A_87, %cond3A_88 : i32
      scf.if %cond3A_89 {
        %dma_wait3A = arith.constant 2 : i32
        %dma_wait3A_161 = arith.constant 2 : i32
        %dma_wait3A_162 = tpu.memref_slice %arg8[%dma_wait3A_161] : memref<4x!tpu.dma_semaphore, #tpu.memory_space<semaphore_mem>> -> memref<1x!tpu.dma_semaphore, #tpu.memory_space<semaphore_mem>>
        %dma_wait3A_163 = tpu.memref_squeeze %dma_wait3A_162 : memref<1x!tpu.dma_semaphore, #tpu.memory_space<semaphore_mem>> -> memref<!tpu.dma_semaphore, #tpu.memory_space<semaphore_mem>>
        %dma_wait3A_164 = arith.constant 0 : i32
        %dma_wait3A_165 = arith.constant 0 : i32
        %dma_wait3A_166 = tpu.memref_slice %arg4[%dma_wait3A_164, %dma_wait3A_165] : memref<100000x1024xf32, #tpu.memory_space<any>> -> memref<1024x1024xf32, #tpu.memory_space<any>>
        %dma_wait3A_167 = arith.constant 0 : i32
        %dma_wait3A_168 = arith.constant 0 : i32
        %dma_wait3A_169 = tpu.memref_slice %arg7[%dma_wait3A, %dma_wait3A_167, %dma_wait3A_168] : memref<4x1024x1024xf32, #tpu.memory_space<vmem>> -> memref<1x1024x1024xf32, #tpu.memory_space<vmem>>
        %dma_wait3A_170 = tpu.memref_squeeze %dma_wait3A_169 : memref<1x1024x1024xf32, #tpu.memory_space<vmem>> -> memref<1024x1024xf32, #tpu.memory_space<vmem>>
        tpu.wait_dma2 semaphore(%dma_wait3A_163 : memref<!tpu.dma_semaphore, #tpu.memory_space<semaphore_mem>>) src(%dma_wait3A_170 : memref<1024x1024xf32, #tpu.memory_space<vmem>>) dst(%dma_wait3A_166 : memref<1024x1024xf32, #tpu.memory_space<any>>)
      } else {
      }
      %get3A_90 = arith.constant 2048 : index
      %get3A_91 = arith.constant 0 : index
      %get3A_92 = vector.load %arg2[%get3A_90, %get3A_91] : memref<4096x128xf32, #tpu.memory_space<vmem>>, vector<1024x128xf32>
      %get3A_93 = arith.constant 0 : index
      %get3A_94 = arith.constant 0 : index
      %get3A_95 = vector.load %arg5[%get3A_93, %get3A_94] : memref<128x1024xf32, #tpu.memory_space<vmem>>, vector<128x1024xf32>
      %dot_general3A_96 = arith.constant dense<0.000000e+00> : vector<1024x1024xf32>
      %dot_general3A_97 = tpu.matmul %get3A_92, %get3A_95, %dot_general3A_96 {dimension_numbers = #tpu.dot_dimension_numbers<[1], [0], [0], [1], [0, 0, 1, 1], [], []>, transpose_lhs_hint = false} : vector<1024x128xf32>, vector<128x1024xf32>, vector<1024x1024xf32> -> vector<1024x1024xf32>
      %get3A_98 = arith.constant 2048 : index
      %get3A_99 = arith.constant 0 : index
      %get3A_100 = vector.load %arg6[%get3A_98, %get3A_99] : memref<4096x1xf32, #tpu.memory_space<vmem>>, vector<1024x1xf32>
      %add3A_101 = vector.broadcast %get3A_100 : vector<1024x1xf32> to vector<1024x1024xf32>
      %add3A_102 = arith.addf %dot_general3A_97, %add3A_101 : vector<1024x1024xf32>
      %swap3A_103 = arith.constant 2 : index
      %swap3A_104 = arith.constant 0 : index
      %swap3A_105 = arith.constant 0 : index
      %swap3A_106 = vector.load %arg7[%swap3A_103, %swap3A_104, %swap3A_105] : memref<4x1024x1024xf32, #tpu.memory_space<vmem>>, vector<1x1024x1024xf32>
      %swap3A_107 = vector.shape_cast %swap3A_106 : vector<1x1024x1024xf32> to vector<1024x1024xf32>
      %swap3A_108 = vector.shape_cast %add3A_102 : vector<1024x1024xf32> to vector<1x1024x1024xf32>
      tpu.vector_store %arg7[%swap3A_103, %swap3A_104, %swap3A_105], %swap3A_108 {strides = array<i32>} : memref<4x1024x1024xf32, #tpu.memory_space<vmem>>, vector<1x1024x1024xf32>,
      %mul3A_109 = arith.constant 4096 : i32
      %mul3A_110 = arith.muli %arg0, %mul3A_109 : i32
      %add3A_111 = arith.constant 2048 : i32
      %add3A_112 = arith.addi %mul3A_110, %add3A_111 : i32
      %dma_start3A_113 = arith.constant 2 : i32
      %dma_start3A_114 = arith.constant 2 : i32
      %dma_start3A_115 = tpu.memref_slice %arg8[%dma_start3A_114] : memref<4x!tpu.dma_semaphore, #tpu.memory_space<semaphore_mem>> -> memref<1x!tpu.dma_semaphore, #tpu.memory_space<semaphore_mem>>
      %dma_start3A_116 = tpu.memref_squeeze %dma_start3A_115 : memref<1x!tpu.dma_semaphore, #tpu.memory_space<semaphore_mem>> -> memref<!tpu.dma_semaphore, #tpu.memory_space<semaphore_mem>>
      %dma_start3A_117 = arith.constant 0 : i32
      %dma_start3A_118 = tpu.memref_slice %arg4[%add3A_112, %dma_start3A_117] : memref<100000x1024xf32, #tpu.memory_space<any>> -> memref<1024x1024xf32, #tpu.memory_space<any>>
      %dma_start3A_119 = arith.constant 0 : i32
      %dma_start3A_120 = arith.constant 0 : i32
      %dma_start3A_121 = tpu.memref_slice %arg7[%dma_start3A_113, %dma_start3A_119, %dma_start3A_120] : memref<4x1024x1024xf32, #tpu.memory_space<vmem>> -> memref<1x1024x1024xf32, #tpu.memory_space<vmem>>
      %dma_start3A_122 = tpu.memref_squeeze %dma_start3A_121 : memref<1x1024x1024xf32, #tpu.memory_space<vmem>> -> memref<1024x1024xf32, #tpu.memory_space<vmem>>
      tpu.enqueue_dma source(%dma_start3A_122 : memref<1024x1024xf32, #tpu.memory_space<vmem>>) target(%dma_start3A_118 : memref<1024x1024xf32, #tpu.memory_space<any>>) target_semaphore(%dma_start3A_116 : memref<!tpu.dma_semaphore, #tpu.memory_space<semaphore_mem>>)
      %gt3A_123 = arith.constant 0 : i32
      %gt3A_124 = arith.cmpi sgt, %arg0, %gt3A_123 : i32
      %convert_element_type3A_125 = arith.extui %gt3A_124 : i1 to i32
      %cond3A_126 = arith.constant 0 : i32
      %cond3A_127 = arith.cmpi ne, %convert_element_type3A_125, %cond3A_126 : i32
      scf.if %cond3A_127 {
        %dma_wait3A = arith.constant 3 : i32
        %dma_wait3A_161 = arith.constant 3 : i32
        %dma_wait3A_162 = tpu.memref_slice %arg8[%dma_wait3A_161] : memref<4x!tpu.dma_semaphore, #tpu.memory_space<semaphore_mem>> -> memref<1x!tpu.dma_semaphore, #tpu.memory_space<semaphore_mem>>
        %dma_wait3A_163 = tpu.memref_squeeze %dma_wait3A_162 : memref<1x!tpu.dma_semaphore, #tpu.memory_space<semaphore_mem>> -> memref<!tpu.dma_semaphore, #tpu.memory_space<semaphore_mem>>
        %dma_wait3A_164 = arith.constant 0 : i32
        %dma_wait3A_165 = arith.constant 0 : i32
        %dma_wait3A_166 = tpu.memref_slice %arg4[%dma_wait3A_164, %dma_wait3A_165] : memref<100000x1024xf32, #tpu.memory_space<any>> -> memref<1024x1024xf32, #tpu.memory_space<any>>
        %dma_wait3A_167 = arith.constant 0 : i32
        %dma_wait3A_168 = arith.constant 0 : i32
        %dma_wait3A_169 = tpu.memref_slice %arg7[%dma_wait3A, %dma_wait3A_167, %dma_wait3A_168] : memref<4x1024x1024xf32, #tpu.memory_space<vmem>> -> memref<1x1024x1024xf32, #tpu.memory_space<vmem>>
        %dma_wait3A_170 = tpu.memref_squeeze %dma_wait3A_169 : memref<1x1024x1024xf32, #tpu.memory_space<vmem>> -> memref<1024x1024xf32, #tpu.memory_space<vmem>>
        tpu.wait_dma2 semaphore(%dma_wait3A_163 : memref<!tpu.dma_semaphore, #tpu.memory_space<semaphore_mem>>) src(%dma_wait3A_170 : memref<1024x1024xf32, #tpu.memory_space<vmem>>) dst(%dma_wait3A_166 : memref<1024x1024xf32, #tpu.memory_space<any>>)
      } else {
      }
      %get3A_128 = arith.constant 3072 : index
      %get3A_129 = arith.constant 0 : index
      %get3A_130 = vector.load %arg2[%get3A_128, %get3A_129] : memref<4096x128xf32, #tpu.memory_space<vmem>>, vector<1024x128xf32>
      %get3A_131 = arith.constant 0 : index
      %get3A_132 = arith.constant 0 : index
      %get3A_133 = vector.load %arg5[%get3A_131, %get3A_132] : memref<128x1024xf32, #tpu.memory_space<vmem>>, vector<128x1024xf32>
      %dot_general3A_134 = arith.constant dense<0.000000e+00> : vector<1024x1024xf32>
      %dot_general3A_135 = tpu.matmul %get3A_130, %get3A_133, %dot_general3A_134 {dimension_numbers = #tpu.dot_dimension_numbers<[1], [0], [0], [1], [0, 0, 1, 1], [], []>, transpose_lhs_hint = false} : vector<1024x128xf32>, vector<128x1024xf32>, vector<1024x1024xf32> -> vector<1024x1024xf32>
      %get3A_136 = arith.constant 3072 : index
      %get3A_137 = arith.constant 0 : index
      %get3A_138 = vector.load %arg6[%get3A_136, %get3A_137] : memref<4096x1xf32, #tpu.memory_space<vmem>>, vector<1024x1xf32>
      %add3A_139 = vector.broadcast %get3A_138 : vector<1024x1xf32> to vector<1024x1024xf32>
      %add3A_140 = arith.addf %dot_general3A_135, %add3A_139 : vector<1024x1024xf32>
      %swap3A_141 = arith.constant 3 : index
      %swap3A_142 = arith.constant 0 : index
      %swap3A_143 = arith.constant 0 : index
      %swap3A_144 = vector.load %arg7[%swap3A_141, %swap3A_142, %swap3A_143] : memref<4x1024x1024xf32, #tpu.memory_space<vmem>>, vector<1x1024x1024xf32>
      %swap3A_145 = vector.shape_cast %swap3A_144 : vector<1x1024x1024xf32> to vector<1024x1024xf32>
      %swap3A_146 = vector.shape_cast %add3A_140 : vector<1024x1024xf32> to vector<1x1024x1024xf32>
      tpu.vector_store %arg7[%swap3A_141, %swap3A_142, %swap3A_143], %swap3A_146 {strides = array<i32>} : memref<4x1024x1024xf32, #tpu.memory_space<vmem>>, vector<1x1024x1024xf32>,
      %mul3A_147 = arith.constant 4096 : i32
      %mul3A_148 = arith.muli %arg0, %mul3A_147 : i32
      %add3A_149 = arith.constant 3072 : i32
      %add3A_150 = arith.addi %mul3A_148, %add3A_149 : i32
      %dma_start3A_151 = arith.constant 3 : i32
      %dma_start3A_152 = arith.constant 3 : i32
      %dma_start3A_153 = tpu.memref_slice %arg8[%dma_start3A_152] : memref<4x!tpu.dma_semaphore, #tpu.memory_space<semaphore_mem>> -> memref<1x!tpu.dma_semaphore, #tpu.memory_space<semaphore_mem>>
      %dma_start3A_154 = tpu.memref_squeeze %dma_start3A_153 : memref<1x!tpu.dma_semaphore, #tpu.memory_space<semaphore_mem>> -> memref<!tpu.dma_semaphore, #tpu.memory_space<semaphore_mem>>
      %dma_start3A_155 = arith.constant 0 : i32
      %dma_start3A_156 = tpu.memref_slice %arg4[%add3A_150, %dma_start3A_155] : memref<100000x1024xf32, #tpu.memory_space<any>> -> memref<1024x1024xf32, #tpu.memory_space<any>>
      %dma_start3A_157 = arith.constant 0 : i32
      %dma_start3A_158 = arith.constant 0 : i32
      %dma_start3A_159 = tpu.memref_slice %arg7[%dma_start3A_151, %dma_start3A_157, %dma_start3A_158] : memref<4x1024x1024xf32, #tpu.memory_space<vmem>> -> memref<1x1024x1024xf32, #tpu.memory_space<vmem>>
      %dma_start3A_160 = tpu.memref_squeeze %dma_start3A_159 : memref<1x1024x1024xf32, #tpu.memory_space<vmem>> -> memref<1024x1024xf32, #tpu.memory_space<vmem>>
      tpu.enqueue_dma source(%dma_start3A_160 : memref<1024x1024xf32, #tpu.memory_space<vmem>>) target(%dma_start3A_156 : memref<1024x1024xf32, #tpu.memory_space<any>>) target_semaphore(%dma_start3A_154 : memref<!tpu.dma_semaphore, #tpu.memory_space<semaphore_mem>>)
    } else {
    }
    %eq3A_9 = arith.constant 24 : i32
    %eq3A_10 = arith.cmpi eq, %arg0, %eq3A_9 : i32
    %convert_element_type3A_11 = arith.extui %eq3A_10 : i1 to i32
    %cond3A_12 = arith.constant 0 : i32
    %cond3A_13 = arith.cmpi ne, %convert_element_type3A_11, %cond3A_12 : i32
    scf.if %cond3A_13 {
      %gt3A = arith.constant 0 : i32
      %gt3A_14 = arith.cmpi sgt, %arg0, %gt3A : i32
      %convert_element_type3A_15 = arith.extui %gt3A_14 : i1 to i32
      %cond3A_16 = arith.constant 0 : i32
      %cond3A_17 = arith.cmpi ne, %convert_element_type3A_15, %cond3A_16 : i32
      scf.if %cond3A_17 {
        %dma_wait3A_128 = arith.constant 0 : i32
        %dma_wait3A_129 = arith.constant 0 : i32
        %dma_wait3A_130 = tpu.memref_slice %arg8[%dma_wait3A_129] : memref<4x!tpu.dma_semaphore, #tpu.memory_space<semaphore_mem>> -> memref<1x!tpu.dma_semaphore, #tpu.memory_space<semaphore_mem>>
        %dma_wait3A_131 = tpu.memref_squeeze %dma_wait3A_130 : memref<1x!tpu.dma_semaphore, #tpu.memory_space<semaphore_mem>> -> memref<!tpu.dma_semaphore, #tpu.memory_space<semaphore_mem>>
        %dma_wait3A_132 = arith.constant 0 : i32
        %dma_wait3A_133 = arith.constant 0 : i32
        %dma_wait3A_134 = tpu.memref_slice %arg4[%dma_wait3A_132, %dma_wait3A_133] : memref<100000x1024xf32, #tpu.memory_space<any>> -> memref<1024x1024xf32, #tpu.memory_space<any>>
        %dma_wait3A_135 = arith.constant 0 : i32
        %dma_wait3A_136 = arith.constant 0 : i32
        %dma_wait3A_137 = tpu.memref_slice %arg7[%dma_wait3A_128, %dma_wait3A_135, %dma_wait3A_136] : memref<4x1024x1024xf32, #tpu.memory_space<vmem>> -> memref<1x1024x1024xf32, #tpu.memory_space<vmem>>
        %dma_wait3A_138 = tpu.memref_squeeze %dma_wait3A_137 : memref<1x1024x1024xf32, #tpu.memory_space<vmem>> -> memref<1024x1024xf32, #tpu.memory_space<vmem>>
        tpu.wait_dma2 semaphore(%dma_wait3A_131 : memref<!tpu.dma_semaphore, #tpu.memory_space<semaphore_mem>>) src(%dma_wait3A_138 : memref<1024x1024xf32, #tpu.memory_space<vmem>>) dst(%dma_wait3A_134 : memref<1024x1024xf32, #tpu.memory_space<any>>)
      } else {
      }
      %get3A_18 = arith.constant 0 : index
      %get3A_19 = arith.constant 0 : index
      %get3A_20 = vector.load %arg2[%get3A_18, %get3A_19] : memref<4096x128xf32, #tpu.memory_space<vmem>>, vector<1024x128xf32>
      %get3A_21 = arith.constant 0 : index
      %get3A_22 = arith.constant 0 : index
      %get3A_23 = vector.load %arg5[%get3A_21, %get3A_22] : memref<128x1024xf32, #tpu.memory_space<vmem>>, vector<128x1024xf32>
      %dot_general3A = arith.constant dense<0.000000e+00> : vector<1024x1024xf32>
      %dot_general3A_24 = tpu.matmul %get3A_20, %get3A_23, %dot_general3A {dimension_numbers = #tpu.dot_dimension_numbers<[1], [0], [0], [1], [0, 0, 1, 1], [], []>, transpose_lhs_hint = false} : vector<1024x128xf32>, vector<128x1024xf32>, vector<1024x1024xf32> -> vector<1024x1024xf32>
      %get3A_25 = arith.constant 0 : index
      %get3A_26 = arith.constant 0 : index
      %get3A_27 = vector.load %arg6[%get3A_25, %get3A_26] : memref<4096x1xf32, #tpu.memory_space<vmem>>, vector<1024x1xf32>
      %add3A = vector.broadcast %get3A_27 : vector<1024x1xf32> to vector<1024x1024xf32>
      %add3A_28 = arith.addf %dot_general3A_24, %add3A : vector<1024x1024xf32>
      %swap3A_29 = arith.constant 0 : index
      %swap3A_30 = arith.constant 0 : index
      %swap3A_31 = arith.constant 0 : index
      %swap3A_32 = vector.load %arg7[%swap3A_29, %swap3A_30, %swap3A_31] : memref<4x1024x1024xf32, #tpu.memory_space<vmem>>, vector<1x1024x1024xf32>
      %swap3A_33 = vector.shape_cast %swap3A_32 : vector<1x1024x1024xf32> to vector<1024x1024xf32>
      %swap3A_34 = vector.shape_cast %add3A_28 : vector<1024x1024xf32> to vector<1x1024x1024xf32>
      tpu.vector_store %arg7[%swap3A_29, %swap3A_30, %swap3A_31], %swap3A_34 {strides = array<i32>} : memref<4x1024x1024xf32, #tpu.memory_space<vmem>>, vector<1x1024x1024xf32>,
      %mul3A = arith.constant 4096 : i32
      %mul3A_35 = arith.muli %arg0, %mul3A : i32
      %add3A_36 = arith.constant 0 : i32
      %add3A_37 = arith.addi %mul3A_35, %add3A_36 : i32
      %dma_start3A = arith.constant 0 : i32
      %dma_start3A_38 = arith.constant 0 : i32
      %dma_start3A_39 = tpu.memref_slice %arg8[%dma_start3A_38] : memref<4x!tpu.dma_semaphore, #tpu.memory_space<semaphore_mem>> -> memref<1x!tpu.dma_semaphore, #tpu.memory_space<semaphore_mem>>
      %dma_start3A_40 = tpu.memref_squeeze %dma_start3A_39 : memref<1x!tpu.dma_semaphore, #tpu.memory_space<semaphore_mem>> -> memref<!tpu.dma_semaphore, #tpu.memory_space<semaphore_mem>>
      %dma_start3A_41 = arith.constant 0 : i32
      %dma_start3A_42 = tpu.memref_slice %arg4[%add3A_37, %dma_start3A_41] : memref<100000x1024xf32, #tpu.memory_space<any>> -> memref<1024x1024xf32, #tpu.memory_space<any>>
      %dma_start3A_43 = arith.constant 0 : i32
      %dma_start3A_44 = arith.constant 0 : i32
      %dma_start3A_45 = tpu.memref_slice %arg7[%dma_start3A, %dma_start3A_43, %dma_start3A_44] : memref<4x1024x1024xf32, #tpu.memory_space<vmem>> -> memref<1x1024x1024xf32, #tpu.memory_space<vmem>>
      %dma_start3A_46 = tpu.memref_squeeze %dma_start3A_45 : memref<1x1024x1024xf32, #tpu.memory_space<vmem>> -> memref<1024x1024xf32, #tpu.memory_space<vmem>>
      tpu.enqueue_dma source(%dma_start3A_46 : memref<1024x1024xf32, #tpu.memory_space<vmem>>) target(%dma_start3A_42 : memref<1024x1024xf32, #tpu.memory_space<any>>) target_semaphore(%dma_start3A_40 : memref<!tpu.dma_semaphore, #tpu.memory_space<semaphore_mem>>)
      %gt3A_47 = arith.constant 0 : i32
      %gt3A_48 = arith.cmpi sgt, %arg0, %gt3A_47 : i32
      %convert_element_type3A_49 = arith.extui %gt3A_48 : i1 to i32
      %cond3A_50 = arith.constant 0 : i32
      %cond3A_51 = arith.cmpi ne, %convert_element_type3A_49, %cond3A_50 : i32
      scf.if %cond3A_51 {
        %dma_wait3A_128 = arith.constant 1 : i32
        %dma_wait3A_129 = arith.constant 1 : i32
        %dma_wait3A_130 = tpu.memref_slice %arg8[%dma_wait3A_129] : memref<4x!tpu.dma_semaphore, #tpu.memory_space<semaphore_mem>> -> memref<1x!tpu.dma_semaphore, #tpu.memory_space<semaphore_mem>>
        %dma_wait3A_131 = tpu.memref_squeeze %dma_wait3A_130 : memref<1x!tpu.dma_semaphore, #tpu.memory_space<semaphore_mem>> -> memref<!tpu.dma_semaphore, #tpu.memory_space<semaphore_mem>>
        %dma_wait3A_132 = arith.constant 0 : i32
        %dma_wait3A_133 = arith.constant 0 : i32
        %dma_wait3A_134 = tpu.memref_slice %arg4[%dma_wait3A_132, %dma_wait3A_133] : memref<100000x1024xf32, #tpu.memory_space<any>> -> memref<1024x1024xf32, #tpu.memory_space<any>>
        %dma_wait3A_135 = arith.constant 0 : i32
        %dma_wait3A_136 = arith.constant 0 : i32
        %dma_wait3A_137 = tpu.memref_slice %arg7[%dma_wait3A_128, %dma_wait3A_135, %dma_wait3A_136] : memref<4x1024x1024xf32, #tpu.memory_space<vmem>> -> memref<1x1024x1024xf32, #tpu.memory_space<vmem>>
        %dma_wait3A_138 = tpu.memref_squeeze %dma_wait3A_137 : memref<1x1024x1024xf32, #tpu.memory_space<vmem>> -> memref<1024x1024xf32, #tpu.memory_space<vmem>>
        tpu.wait_dma2 semaphore(%dma_wait3A_131 : memref<!tpu.dma_semaphore, #tpu.memory_space<semaphore_mem>>) src(%dma_wait3A_138 : memref<1024x1024xf32, #tpu.memory_space<vmem>>) dst(%dma_wait3A_134 : memref<1024x1024xf32, #tpu.memory_space<any>>)
      } else {
      }
      %get3A_52 = arith.constant 1024 : index
      %get3A_53 = arith.constant 0 : index
      %get3A_54 = vector.load %arg2[%get3A_52, %get3A_53] : memref<4096x128xf32, #tpu.memory_space<vmem>>, vector<672x128xf32>
      %get3A_55 = arith.constant 0 : index
      %get3A_56 = arith.constant 0 : index
      %get3A_57 = vector.load %arg5[%get3A_55, %get3A_56] : memref<128x1024xf32, #tpu.memory_space<vmem>>, vector<128x1024xf32>
      %dot_general3A_58 = arith.constant dense<0.000000e+00> : vector<672x1024xf32>
      %dot_general3A_59 = tpu.matmul %get3A_54, %get3A_57, %dot_general3A_58 {dimension_numbers = #tpu.dot_dimension_numbers<[1], [0], [0], [1], [0, 0, 1, 1], [], []>, transpose_lhs_hint = false} : vector<672x128xf32>, vector<128x1024xf32>, vector<672x1024xf32> -> vector<672x1024xf32>
      %get3A_60 = arith.constant 1024 : index
      %get3A_61 = arith.constant 0 : index
      %get3A_62 = vector.load %arg6[%get3A_60, %get3A_61] : memref<4096x1xf32, #tpu.memory_space<vmem>>, vector<672x1xf32>
      %add3A_63 = vector.broadcast %get3A_62 : vector<672x1xf32> to vector<672x1024xf32>
      %add3A_64 = arith.addf %dot_general3A_59, %add3A_63 : vector<672x1024xf32>
      %swap3A_65 = arith.constant 1 : index
      %swap3A_66 = arith.constant 0 : index
      %swap3A_67 = arith.constant 0 : index
      %swap3A_68 = vector.load %arg7[%swap3A_65, %swap3A_66, %swap3A_67] : memref<4x1024x1024xf32, #tpu.memory_space<vmem>>, vector<1x672x1024xf32>
      %swap3A_69 = vector.shape_cast %swap3A_68 : vector<1x672x1024xf32> to vector<672x1024xf32>
      %swap3A_70 = vector.shape_cast %add3A_64 : vector<672x1024xf32> to vector<1x672x1024xf32>
      tpu.vector_store %arg7[%swap3A_65, %swap3A_66, %swap3A_67], %swap3A_70 {strides = array<i32>} : memref<4x1024x1024xf32, #tpu.memory_space<vmem>>, vector<1x672x1024xf32>,
      %mul3A_71 = arith.constant 4096 : i32
      %mul3A_72 = arith.muli %arg0, %mul3A_71 : i32
      %add3A_73 = arith.constant 1024 : i32
      %add3A_74 = arith.addi %mul3A_72, %add3A_73 : i32
      %dma_start3A_75 = arith.constant 1 : i32
      %dma_start3A_76 = arith.constant 1 : i32
      %dma_start3A_77 = tpu.memref_slice %arg8[%dma_start3A_76] : memref<4x!tpu.dma_semaphore, #tpu.memory_space<semaphore_mem>> -> memref<1x!tpu.dma_semaphore, #tpu.memory_space<semaphore_mem>>
      %dma_start3A_78 = tpu.memref_squeeze %dma_start3A_77 : memref<1x!tpu.dma_semaphore, #tpu.memory_space<semaphore_mem>> -> memref<!tpu.dma_semaphore, #tpu.memory_space<semaphore_mem>>
      %dma_start3A_79 = arith.constant 0 : i32
      %dma_start3A_80 = tpu.memref_slice %arg4[%add3A_74, %dma_start3A_79] : memref<100000x1024xf32, #tpu.memory_space<any>> -> memref<672x1024xf32, #tpu.memory_space<any>>
      %dma_start3A_81 = arith.constant 0 : i32
      %dma_start3A_82 = arith.constant 0 : i32
      %dma_start3A_83 = tpu.memref_slice %arg7[%dma_start3A_75, %dma_start3A_81, %dma_start3A_82] : memref<4x1024x1024xf32, #tpu.memory_space<vmem>> -> memref<1x672x1024xf32, #tpu.memory_space<vmem>>
      %dma_start3A_84 = tpu.memref_squeeze %dma_start3A_83 : memref<1x672x1024xf32, #tpu.memory_space<vmem>> -> memref<672x1024xf32, #tpu.memory_space<vmem>>
      tpu.enqueue_dma source(%dma_start3A_84 : memref<672x1024xf32, #tpu.memory_space<vmem>>) target(%dma_start3A_80 : memref<672x1024xf32, #tpu.memory_space<any>>) target_semaphore(%dma_start3A_78 : memref<!tpu.dma_semaphore, #tpu.memory_space<semaphore_mem>>)
      %dma_wait3A = arith.constant 0 : i32
      %dma_wait3A_85 = arith.constant 0 : i32
      %dma_wait3A_86 = tpu.memref_slice %arg8[%dma_wait3A_85] : memref<4x!tpu.dma_semaphore, #tpu.memory_space<semaphore_mem>> -> memref<1x!tpu.dma_semaphore, #tpu.memory_space<semaphore_mem>>
      %dma_wait3A_87 = tpu.memref_squeeze %dma_wait3A_86 : memref<1x!tpu.dma_semaphore, #tpu.memory_space<semaphore_mem>> -> memref<!tpu.dma_semaphore, #tpu.memory_space<semaphore_mem>>
      %dma_wait3A_88 = arith.constant 0 : i32
      %dma_wait3A_89 = arith.constant 0 : i32
      %dma_wait3A_90 = tpu.memref_slice %arg4[%dma_wait3A_88, %dma_wait3A_89] : memref<100000x1024xf32, #tpu.memory_space<any>> -> memref<1024x1024xf32, #tpu.memory_space<any>>
      %dma_wait3A_91 = arith.constant 0 : i32
      %dma_wait3A_92 = arith.constant 0 : i32
      %dma_wait3A_93 = tpu.memref_slice %arg7[%dma_wait3A, %dma_wait3A_91, %dma_wait3A_92] : memref<4x1024x1024xf32, #tpu.memory_space<vmem>> -> memref<1x1024x1024xf32, #tpu.memory_space<vmem>>
      %dma_wait3A_94 = tpu.memref_squeeze %dma_wait3A_93 : memref<1x1024x1024xf32, #tpu.memory_space<vmem>> -> memref<1024x1024xf32, #tpu.memory_space<vmem>>
      tpu.wait_dma2 semaphore(%dma_wait3A_87 : memref<!tpu.dma_semaphore, #tpu.memory_space<semaphore_mem>>) src(%dma_wait3A_94 : memref<1024x1024xf32, #tpu.memory_space<vmem>>) dst(%dma_wait3A_90 : memref<1024x1024xf32, #tpu.memory_space<any>>)
      %dma_wait3A_95 = arith.constant 1 : i32
      %dma_wait3A_96 = arith.constant 1 : i32
      %dma_wait3A_97 = tpu.memref_slice %arg8[%dma_wait3A_96] : memref<4x!tpu.dma_semaphore, #tpu.memory_space<semaphore_mem>> -> memref<1x!tpu.dma_semaphore, #tpu.memory_space<semaphore_mem>>
      %dma_wait3A_98 = tpu.memref_squeeze %dma_wait3A_97 : memref<1x!tpu.dma_semaphore, #tpu.memory_space<semaphore_mem>> -> memref<!tpu.dma_semaphore, #tpu.memory_space<semaphore_mem>>
      %dma_wait3A_99 = arith.constant 0 : i32
      %dma_wait3A_100 = arith.constant 0 : i32
      %dma_wait3A_101 = tpu.memref_slice %arg4[%dma_wait3A_99, %dma_wait3A_100] : memref<100000x1024xf32, #tpu.memory_space<any>> -> memref<672x1024xf32, #tpu.memory_space<any>>
      %dma_wait3A_102 = arith.constant 0 : i32
      %dma_wait3A_103 = arith.constant 0 : i32
      %dma_wait3A_104 = tpu.memref_slice %arg7[%dma_wait3A_95, %dma_wait3A_102, %dma_wait3A_103] : memref<4x1024x1024xf32, #tpu.memory_space<vmem>> -> memref<1x672x1024xf32, #tpu.memory_space<vmem>>
      %dma_wait3A_105 = tpu.memref_squeeze %dma_wait3A_104 : memref<1x672x1024xf32, #tpu.memory_space<vmem>> -> memref<672x1024xf32, #tpu.memory_space<vmem>>
      tpu.wait_dma2 semaphore(%dma_wait3A_98 : memref<!tpu.dma_semaphore, #tpu.memory_space<semaphore_mem>>) src(%dma_wait3A_105 : memref<672x1024xf32, #tpu.memory_space<vmem>>) dst(%dma_wait3A_101 : memref<672x1024xf32, #tpu.memory_space<any>>)
      %dma_wait3A_106 = arith.constant 2 : i32
      %dma_wait3A_107 = arith.constant 2 : i32
      %dma_wait3A_108 = tpu.memref_slice %arg8[%dma_wait3A_107] : memref<4x!tpu.dma_semaphore, #tpu.memory_space<semaphore_mem>> -> memref<1x!tpu.dma_semaphore, #tpu.memory_space<semaphore_mem>>
      %dma_wait3A_109 = tpu.memref_squeeze %dma_wait3A_108 : memref<1x!tpu.dma_semaphore, #tpu.memory_space<semaphore_mem>> -> memref<!tpu.dma_semaphore, #tpu.memory_space<semaphore_mem>>
      %dma_wait3A_110 = arith.constant 0 : i32
      %dma_wait3A_111 = arith.constant 0 : i32
      %dma_wait3A_112 = tpu.memref_slice %arg4[%dma_wait3A_110, %dma_wait3A_111] : memref<100000x1024xf32, #tpu.memory_space<any>> -> memref<1024x1024xf32, #tpu.memory_space<any>>
      %dma_wait3A_113 = arith.constant 0 : i32
      %dma_wait3A_114 = arith.constant 0 : i32
      %dma_wait3A_115 = tpu.memref_slice %arg7[%dma_wait3A_106, %dma_wait3A_113, %dma_wait3A_114] : memref<4x1024x1024xf32, #tpu.memory_space<vmem>> -> memref<1x1024x1024xf32, #tpu.memory_space<vmem>>
      %dma_wait3A_116 = tpu.memref_squeeze %dma_wait3A_115 : memref<1x1024x1024xf32, #tpu.memory_space<vmem>> -> memref<1024x1024xf32, #tpu.memory_space<vmem>>
      tpu.wait_dma2 semaphore(%dma_wait3A_109 : memref<!tpu.dma_semaphore, #tpu.memory_space<semaphore_mem>>) src(%dma_wait3A_116 : memref<1024x1024xf32, #tpu.memory_space<vmem>>) dst(%dma_wait3A_112 : memref<1024x1024xf32, #tpu.memory_space<any>>)
      %dma_wait3A_117 = arith.constant 3 : i32
      %dma_wait3A_118 = arith.constant 3 : i32
      %dma_wait3A_119 = tpu.memref_slice %arg8[%dma_wait3A_118] : memref<4x!tpu.dma_semaphore, #tpu.memory_space<semaphore_mem>> -> memref<1x!tpu.dma_semaphore, #tpu.memory_space<semaphore_mem>>
      %dma_wait3A_120 = tpu.memref_squeeze %dma_wait3A_119 : memref<1x!tpu.dma_semaphore, #tpu.memory_space<semaphore_mem>> -> memref<!tpu.dma_semaphore, #tpu.memory_space<semaphore_mem>>
      %dma_wait3A_121 = arith.constant 0 : i32
      %dma_wait3A_122 = arith.constant 0 : i32
      %dma_wait3A_123 = tpu.memref_slice %arg4[%dma_wait3A_121, %dma_wait3A_122] : memref<100000x1024xf32, #tpu.memory_space<any>> -> memref<1024x1024xf32, #tpu.memory_space<any>>
      %dma_wait3A_124 = arith.constant 0 : i32
      %dma_wait3A_125 = arith.constant 0 : i32
      %dma_wait3A_126 = tpu.memref_slice %arg7[%dma_wait3A_117, %dma_wait3A_124, %dma_wait3A_125] : memref<4x1024x1024xf32, #tpu.memory_space<vmem>> -> memref<1x1024x1024xf32, #tpu.memory_space<vmem>>
      %dma_wait3A_127 = tpu.memref_squeeze %dma_wait3A_126 : memref<1x1024x1024xf32, #tpu.memory_space<vmem>> -> memref<1024x1024xf32, #tpu.memory_space<vmem>>
      tpu.wait_dma2 semaphore(%dma_wait3A_120 : memref<!tpu.dma_semaphore, #tpu.memory_space<semaphore_mem>>) src(%dma_wait3A_127 : memref<1024x1024xf32, #tpu.memory_space<vmem>>) dst(%dma_wait3A_123 : memref<1024x1024xf32, #tpu.memory_space<any>>)
    } else {
    }
    return
  }
  func.func @transform_0(%arg0: i32) -> (i32, i32) {
    %c0_i32 = arith.constant 0 : i32
    %c0_i32_0 = arith.constant 0 : i32
    %c0_i32_1 = arith.constant 0 : i32
    return %c0_i32, %c0_i32_0 : i32, i32
  }
  func.func @transform_1(%arg0: i32) -> (i32, i32) {
    %c0_i32 = arith.constant 0 : i32
    %c0_i32_0 = arith.constant 0 : i32
    return %arg0, %c0_i32 : i32, i32
  }
  func.func @transform_2(%arg0: i32) -> i32 {
    %c0_i32 = arith.constant 0 : i32
    return %arg0 : i32
  }
}

</mosaic_0001>

<sc_bundles>
// kernel: kernel.4.cloned.1.call-start
scs
__scs_entry_jumppad:
0x0: {  	(pc) =	sbr.rel $0x88, $3  }
0x1: {  	(tag) =	ssettag $0x0;
	lr =	simm.s32 $0x1  }
0x2: {  	[smem:$0x3F9D] =	sst lr;
	_ =	strace $0xD0000000  }
0x3: {  	_ = 	snop  }
0x4: {  	_ = 	snop  }
0x5: {  	_ = 	snop  }
0x6: {  	_ = 	snop  }
0x7: {  	_ = 	snop  }
__scs_overlays_trampoline_lowered:
0x8: {  	[smem:$0x3FAC] =	sst s0  }
0x9: {  	[smem:$0x3FAD] =	sst s1  }
0xa: {  	[smem:$0x3FAE] =	sst s2  }
0xb: {  	[smem:$0x3FAF] =	sst s3  }
0xc: {  	[smem:$0x3FB0] =	sst s4  }
0xd: {  	[smem:$0x3FB1] =	sst s5  }
0xe: {  	[smem:$0x3FB2] =	sst s6  }
0xf: {  	[smem:$0x3FB3] =	sst s7  }
0x10: {  	[smem:$0x3FB4] =	sst s8  }
0x11: {  	[smem:$0x3FB5] =	sst s9;
	s0 =	simm.s32 @!p0 $0x0  }
0x12: {  	s1 =	sld [smem:$0x3F9B];
	s0 =	simm.s32 @p0 $0x1  }
0x13: {  	[smem:$0x3FB6] =	sst s0;
	s0 =	simm.s32 @!p1 $0x0  }
0x14: {  	s2 =	sld [smem:$0x3F9A];
	s0 =	simm.s32 @p1 $0x1  }
0x15: {  	[smem:$0x3FB7] =	sst s0;
	s0 =	simm.s32 @!p2 $0x0  }
0x16: {  	s3 =	sld [smem:$0x3FDB];
	s0 =	simm.s32 @p2 $0x1  }
0x17: {  	s4 =	simm.s32 $0x1BF5;
	[smem:$0x3FB9] =	sst s0  }
0x18: {  	s0 =	sld [smem:$0x3F9C];
	_ =	swait.ge [sflag:s4], $0x0  }
0x19: {  	s7 =	sld [smem:$0x3F9D]  }
0x1a: {  	s8 =	sadd.s32 $0xFFFFE003, lr  }
0x1b: {  	s9 =	sadd.s32 $0xFFFFFEF7, lr;
	s5 =	simm.s32 $0xFFFFFFFF;
	p2 =	slt.u32 s8, $0xFFFFF086  }
0x1c: {  	p1 =	slt.u32 s9, $0xF7A;
	s5 =	simm.s32 @!p2 $0x0  }
0x1d: {  	s5 =	simm.s32 @p1 $0x1;
	p0 =	seq.s32 s7, s2  }
0x1e: {  	s7 =	smul.u32 @!p0 $0xF7A, s2;
	p2 =	seq.s32 @!p0 s5, $0x0  }
0x1f: {  	s9 =	smul.u32 $0xF7A, s1;
	s8 =	simm.s32 @!p0 $0x1BF5;
	p2 =	por !p2, p0  }
0x20: {  	[sflag:s8] =	ssyncset.s32 @!p0 $0xFFFFF086;
	s6 =	sadd.s32 @!p0 s3, s7;
	s7 =	simm.s32 @!p0 $0x108  }
0x21: {  	s3 =	sadd.s32 s3, s9;
	s6 =	sadd.s32 @!p0 $0x88, s6;
	s7 =	simm.s32 @p2 $0x1082  }
0x22: {  	[simem:s7], [sflag:s8] =	dma.local @!p0 [hbm:s6], $0xF7A  }
0x23: {  	s9 =	sor.u32 $0xD0000000, s2;
	s6 =	simm.s32 $0x108;
	_ =	swait.ge @!p0 [sflag:s8], $0x0  }
0x24: {  	s3 =	sadd.s32 $0x88, s3;
	s6 =	simm.s32 @!p1 $0x1082;
	[sflag:s4] =	ssyncset.s32 $0xFFFFF086  }
0x25: {  	[simem:s6], [sflag:s4] =	dma.local [hbm:s3], $0xF7A  }
0x26: {  	[smem:$0x3F9D] =	sst s1;
	(tag) =	ssettag s2;
	_ =	strace s9  }
0x27: {  	s1 =	sld [smem:$0x3FAD]  }
0x28: {  	s2 =	sld [smem:$0x3FAE]  }
0x29: {  	s4 =	sld [smem:$0x3FB0]  }
0x2a: {  	p0 =	seq.s32 s5, $0x0;
	s5 =	sld [smem:$0x3FB1]  }
0x2b: {  	s6 =	sld [smem:$0x3FB2]  }
0x2c: {  	s7 =	sld [smem:$0x3FB3]  }
0x2d: {  	s3 =	simm.s32 $0x108;
	s8 =	sld [smem:$0x3FB4]  }
0x2e: {  	s3 =	simm.s32 @!p0 $0x1082;
	s9 =	sld [smem:$0x3FB5]  }
0x2f: {  	lr =	sadd.s32 s0, s3;
	s0 =	sld [smem:$0x3FAC]  }
0x30: {  	s3 =	sld [smem:$0x3FAF]  }
0x31: {  	[smem:$0x3FB8] =	sst s10  }
0x32: {  	s10 =	sld [smem:$0x3FB6];
	_ =	sdelay $0x3  }
0x33: {  	p0 =	seq.s32 s10, $0x1;
	s10 =	sld [smem:$0x3FB8];
	_ =	sdelay $0x3  }
0x34: {  	[smem:$0x3FB8] =	sst s10  }
0x35: {  	s10 =	sld [smem:$0x3FB7];
	_ =	sdelay $0x3  }
0x36: {  	p1 =	seq.s32 s10, $0x1;
	s10 =	sld [smem:$0x3FB8];
	_ =	sdelay $0x3  }
0x37: {  	[smem:$0x3FB8] =	sst s10  }
0x38: {  	s10 =	sld [smem:$0x3FB9]  }
0x39: {  	_ = 	snop;
	(pc) =	sbr.ind lr, $3  }
0x3a: {  	_ = 	snop  }
0x3b: {  	_ = 	snop  }
0x3c: {  	p2 =	seq.s32 s10, $0x1;
	s10 =	sld [smem:$0x3FB8]  }
0x3d: {  	_ =	shalt  }
0x3e: {  	_ =	shalt  }
0x3f: {  	_ =	shalt  }
0x40: {  	_ =	shalt  }
0x41: {  	_ =	shalt  }
0x42: {  	_ =	shalt  }
0x43: {  	_ =	shalt  }
0x44: {  	_ =	shalt  }
0x45: {  	_ =	shalt  }
0x46: {  	_ =	shalt  }
0x47: {  	_ =	shalt  }
0x48: {  	_ =	shalt  }
0x49: {  	_ =	shalt  }
0x4a: {  	_ =	shalt  }
0x4b: {  	_ =	shalt  }
0x4c: {  	_ =	shalt  }
0x4d: {  	_ =	shalt  }
0x4e: {  	_ =	shalt  }
0x4f: {  	_ =	shalt  }
0x50: {  	_ =	shalt  }
0x51: {  	_ =	shalt  }
0x52: {  	_ =	shalt  }
0x53: {  	_ =	shalt  }
0x54: {  	_ =	shalt  }
0x55: {  	_ =	shalt  }
0x56: {  	_ =	shalt  }
0x57: {  	_ =	shalt  }
0x58: {  	_ =	shalt  }
0x59: {  	_ =	shalt  }
0x5a: {  	_ =	shalt  }
0x5b: {  	_ =	shalt  }
0x5c: {  	_ =	shalt  }
0x5d: {  	_ =	shalt  }
0x5e: {  	_ =	shalt  }
0x5f: {  	_ =	shalt  }
0x60: {  	_ =	shalt  }
0x61: {  	_ =	shalt  }
0x62: {  	_ =	shalt  }
0x63: {  	_ =	shalt  }
0x64: {  	_ =	shalt  }
0x65: {  	_ =	shalt  }
0x66: {  	_ =	shalt  }
0x67: {  	_ =	shalt  }
0x68: {  	_ =	shalt  }
0x69: {  	_ =	shalt  }
0x6a: {  	_ =	shalt  }
0x6b: {  	_ =	shalt  }
0x6c: {  	_ =	shalt  }
0x6d: {  	_ =	shalt  }
0x6e: {  	_ =	shalt  }
0x6f: {  	_ =	shalt  }
0x70: {  	_ =	shalt  }
0x71: {  	_ =	shalt  }
0x72: {  	_ =	shalt  }
0x73: {  	_ =	shalt  }
0x74: {  	_ =	shalt  }
0x75: {  	_ =	shalt  }
0x76: {  	_ =	shalt  }
0x77: {  	_ =	shalt  }
0x78: {  	_ =	shalt  }
0x79: {  	_ =	shalt  }
0x7a: {  	_ =	shalt  }
0x7b: {  	_ =	shalt  }
0x7c: {  	_ =	shalt  }
0x7d: {  	_ =	shalt  }
0x7e: {  	_ =	shalt  }
0x7f: {  	_ =	shalt  }
0x80: {  	_ =	shalt  }
0x81: {  	_ =	shalt  }
0x82: {  	_ =	shalt  }
0x83: {  	_ =	shalt  }
0x84: {  	_ =	shalt  }
0x85: {  	_ =	shalt  }
0x86: {  	_ =	shalt  }
0x87: {  	_ =	shalt  }
.Lfunc_end0:
.L_simem_size_0:
called_computation_lowered:
.L_overlay_start_0:
0x88: {  	s2 =	sld [smem:$0x3FD9]  }
0x89: {  	s3 =	sld [smem:$0x3FFE];
	_ =	sdelay $0x1  }
0x8a: {  	s1 =	srdreg.scid  }
0x8b: {  	s0 =	sand.u32 $0x1, s1  }
0x8c: {  	s18 =	sshll.u32 s0, $0xA;
	s2 =	sadd.s32 s3, s2  }
0x8d: {  	s2 =	sadd.s32 s2, s18  }
0x8e: {  	[smem:$0x3FC4] =	sst s2  }
0x8f: {  	_ = 	snop  }
0x90: {  	s2 =	sld [smem:$0x3FC9]  }
0x91: {  	s19 =	sld [smem:$0x3FC8]  }
0x92: {  	s4 =	sld [smem:$0x3FD0];
	(tm) =	ssettm $0x1  }
0x93: {  	s5 =	sld [smem:$0x3FFB];
	_ =	sdelay $0x3  }
0x94: {  	_ =	strace s5  }
0x95: {  	s5 =	sld [smem:$0x3FFC];
	_ =	sdelay $0x3  }
0x96: {  	_ =	strace s5  }
0x97: {  	s5 =	sld [smem:$0x3FFD];
	_ =	sdelay $0x3  }
0x98: {  	_ =	strace s5  }
0x99: {  	_ =	strace $0x8FFFFFFF  }
0x9a: {  	s20 =	sld [smem:$0x3FDB];
	_ =	sdelay $0x1  }
0x9b: {  	s6 =	simm.s32 $_scs_section_size  }
0x9c: {  	s7 =	simm.s32 $_size__tile_overlayer_lowered;
	s8 =	simm.s32 $_tile_overlayer_lowered  }
0x9d: {  	s23 =	simm.s32 $0x1BFF;
	s22 =	sshll.u32 s8, $0x1;
	s5 =	sadd.s32 s6, s20  }
0x9e: {  	s9 =	simm.s32 $0x0;
	s21 =	sshll.u32 s7, $0x1;
	s7 =	sadd.s32 s22, s5  }
0x9f: {  	[timem:s9], [sflag:s23] =	dma.local [hbm:s7], s21  }
0xa0: {  	_ =	swait.ge [sflag:s23], s21  }
0xa1: {  	s6 =	ssub.s32 $0x0, s21;
	[sflag:s23] =	ssyncset.done $0x0  }
0xa2: {  	[sflag:s23] =	ssyncadd.s32 s6;
	_ =	sdelay $0x1  }
0xa3: {  	s24 =	simm.s32 $0x1B8B  }
0xa4: {  	_ =	swait.ge [sflag:s24], $0x1  }
0xa5: {  	[sflag:s24] =	ssyncset.done $0x0  }
0xa6: {  	s25 =	simm.s32 $0x1B8E;
	[sflag:s24] =	ssyncadd.s32 $0xFFFFFFFF  }
0xa7: {  	s26 =	simm.s32 $execute0_lowered;
	[smem:$0x3FD2] =	sst s25  }
0xa8: {  	s6 =	sshll.u32 s26, $0x1;
	_ =	strace $0x80000046;
	[dreg:$0x1] =	wrdreg $0xFFFFFFFF  }
0xa9: {  	s28 =	simm.s32 $_size_execute0_lowered;
	s5 =	sadd.s32 s5, s6;
	[dreg:$0x0] =	wrdreg $0x0  }
0xaa: {  	s6 =	sshll.u32 s28, $0x1;
	[dreg:$0x2] =	wrdreg s5  }
0xab: {  	[dreg:$0x3] =	wrdreg s6  }
0xac: {  	[dreg:$0x4] =	wrdreg $0xC0  }
0xad: {  	_ =	task [dreg:s9], $0x5FFFF  }
0xae: {  	[dreg:$0x1] =	wrdreg $0xFFFFFFFF  }
0xaf: {  	[dreg:$0x0] =	wrdreg $0x60  }
0xb0: {  	[dreg:$0x2] =	wrdreg s2  }
0xb1: {  	[dreg:$0x3] =	wrdreg s19  }
0xb2: {  	[dreg:$0x4] =	wrdreg s4  }
0xb3: {  	[dreg:$0x5] =	wrdreg $0x9  }
0xb4: {  	_ =	task.clear_ibuf [dreg:s9], $0x6FFFF;
	_ =	strace $0x90000046  }
0xb5: {  	s29 =	simm.s32 $0x9;
	_ =	strace $0x80000048  }
0xb6: {  	_ =	swait.ge [sflag:s29], $0x1  }
0xb7: {  	[sflag:s29] =	ssyncadd.s32 $0xFFFFFFFF  }
0xb8: {  	_ =	strace $0x90000048  }
0xb9: {  	_ =	sfence  }
0xba: {  	s30 =	sld [smem:$0x0];
	_ =	sdelay $0x2  }
0xbb: {  	s31 =	sshll.u32 s1, $0xD;
	s1 =	sshrl.u32 s1, $0x2  }
0xbc: {  	s3 =	sand.u32 $0x4000, s31;
	s1 =	sadd.s32 s1, s30  }
0xbd: {  	s0 =	sor.u32 s3, s0;
	s1 =	sshll.u32 s1, $0x11  }
0xbe: {  	s0 =	sor.u32 s1, s0  }
0xbf: {  	s0 =	sadd.s32 $0x8F2B, s0  }
0xc0: {  	[sflag:s0] =	ssyncadd.remote.s32 $0x1  }
0xc1: {  	_ =	sfence.sel $0xFFFF  }
0xc2: {  	[dreg:$0x0] =	wrdreg $0xFFFFFFFF;
	(pc) =	sbr.abs _section_cstart, $3  }
0xc3: {  	[dreg:$0x1] =	wrdreg $0xFFFFFFFF  }
0xc4: {  	_ =	task.clear_ibuf [dreg:s9], $0x2FFFF;
	_ =	strace $0x9FFFFFFF  }
0xc5: {  	(tm) =	ssettm $0x7FFFFFFF  }
tec
execute0_lowered:
.L_overlay_start_1:
0x0: {  	(tag) =	ssettag $0x1  }
0x1: {  	s4 =	rddreg [dreg:$0x0]  }
0x2: {  	s1 =	srdreg.scid;
	s2 =	rddreg [dreg:$0x1]  }
0x3: {  	s0 =	stileid.u32;
	s9 =	rddreg [dreg:$0x2];
	s6 =	sand.u32 $0x1, s1  }
0x4: {  	s3 =	simm.s32 $0x0;
	s5 =	sshll.u32 s0, $0x6;
	s7 =	sshll.u32 s6, $0x5  }
0x5: {  	[smem:$0x7FF] =	sst s3;
	s10 =	sor.u32 s7, s5  }
0x6: {  	s1 =	rddreg [dreg:$0x3];
	_ =	strace $0x80000047;
	s5 =	sshrl.u32 s10, $0x3  }
0x7: {  	s11 =	ssub.s32 $0x2, s6;
	s5 =	sadd.s32 s4, s5;
	s4 =	simm.s32 $0x2  }
0x8: {  	[tilespmem:s3], [sflag:$0x2] =	stream.linear.gather [hbm4b:s5+s3], $0x20, $0x38;
	[tilespmem:$0x1080] =	vst v63  }
0x9: {  	s8 =	simm.s32 $0x1;
	s12 =	sshrl.u32 s11, $0x1;
	_ =	swait.ge [sflag:s4], $0x20  }
0xa: {  	s6 =	simm.s32 $0x20;
	s11 =	ssub.s32 s11, s12;
	[sflag:s4] =	ssyncset.done $0x0  }
0xb: {  	s7 =	simm.s32 $0x80;
	s31 =	smax.u32 s11, $0x1;
	[sflag:s4] =	ssyncadd.s32 $0xFFFFFFE0  }
0xc: {  	[tilespmem:s7], [sflag:$0x1] =	stream.indirect.gather [hbm4b:s2+s6], $0x80, s3, s6, $0xb8;
	[tilespmem:$0x1080] =	vst v63  }
0xd: {  	p0 =	sne.s32 s31, $0x1;
	_ =	swait.ge [sflag:s8], $0x1000  }
.Ltmp0:
0xe: {  	s10 =	sshll.u32 s10, $0x4;
	[sflag:s8] =	ssyncset.done $0x0;
	(pc) =	sbr.rel @!p0 .LBB2_2-.Ltmp0, $4  }
0xf: {  	s9 =	sadd.s32 s9, s10;
	[sflag:s8] =	ssyncadd.s32 $0xFFFFF000  }
0x10: {  	[hbm4b:s9+s3] =	stream.linear.scatter [tilespmem:s7], [sflag:$0x2], $0x1000, $0x38;
	[tilespmem:$0x1080] =	vst v63  }
0x11: {  	_ =	swait.ge [sflag:s4], $0x1000  }
0x12: {  	s10 =	sadd.s32 $0xFFFFFFFF, s31;
	[sflag:s4] =	ssyncset.done $0x0  }
.LBB2_1:
0x13: {  	p0 =	sne.s32 s10, $0x1;
	s10 =	sadd.s32 $0xFFFFFFFF, s10;
	[sflag:s4] =	ssyncadd.s32 $0xFFFFF000  }
0x14: {  	[tilespmem:s3], [sflag:$0x2] =	stream.linear.gather [hbm4b:s5+s3], $0x20, $0x38;
	[tilespmem:$0x1080] =	vst v63  }
0x15: {  	_ =	swait.ge [sflag:s4], $0x20  }
0x16: {  	[sflag:s4] =	ssyncset.done $0x0  }
0x17: {  	[sflag:s4] =	ssyncadd.s32 $0xFFFFFFE0  }
0x18: {  	[tilespmem:s7], [sflag:$0x1] =	stream.indirect.gather [hbm4b:s2+s6], $0x80, s3, s6, $0xb8;
	[tilespmem:$0x1080] =	vst v63  }
0x19: {  	_ =	swait.ge [sflag:s8], $0x1000  }
.Ltmp1:
0x1a: {  	[sflag:s8] =	ssyncset.done $0x0;
	(pc) =	sbr.rel @p0 .LBB2_1-.Ltmp1, $4  }
0x1b: {  	[sflag:s8] =	ssyncadd.s32 $0xFFFFF000  }
0x1c: {  	[hbm4b:s9+s3] =	stream.linear.scatter [tilespmem:s7], [sflag:$0x2], $0x1000, $0x38;
	[tilespmem:$0x1080] =	vst v63  }
0x1d: {  	_ =	swait.ge [sflag:s4], $0x1000  }
0x1e: {  	[sflag:s4] =	ssyncset.done $0x0  }
.LBB2_2:
0x1f: {  	[sflag:s4] =	ssyncadd.s32 $0xFFFFF000  }
0x20: {  	_ =	sfence.sel $0x180000  }
0x21: {  	[bflag:$0x0] =	sbarrier.arrive $0xFFFF  }
0x22: {  	p0 =	sne.s32 s0, $0x0;
	_ =	strace $0x90000047  }
0x23: {  	s0 =	sadd.s32 @!p0 $0x100000, s1;
	[bflag:$0x2] =	sbarrier.arrive $0xFFFF  }
0x24: {  	[sflag:s0] =	ssyncadd.tile.s32 @!p0 $0x1;
	_ =	shalt  }
.Lfunc_end2:
_tile_overlayer_lowered:
.L_overlay_start_2:
0x25: {  	(tag) =	ssettag $0x2  }
0x26: {  	s0 =	rddreg [dreg:$0x0];
	s2 =	stileid.u32  }
0x27: {  	s1 =	rddreg [dreg:$0x1];
	p0 =	sne.s32 s2, $0x0  }
0x28: {  	s3 =	rddreg [dreg:$0x2];
	[bflag:$0x3] =	sbarrier.arrive $0xFFFF;
	s2 =	simm.s32 @!p0 $0x1C02  }
0x29: {  	[timem:s3], [sflag:s2] =	dma.local @!p0 [hbm:s0], s1  }
0x2a: {  	s0 =	simm.s32 @!p0 $0x2  }
0x2b: {  	_ =	swait.ge @!p0 [sflag:s0], s1  }
0x2c: {  	s1 =	ssub.s32 @!p0 $0x0, s1;
	[sflag:s0] =	ssyncset.done @!p0 $0x0  }
0x2d: {  	[sflag:s0] =	ssyncadd.s32 @!p0 s1  }
0x2e: {  	[bflag:$0x3] =	sbarrier.arrive $0xFFFF  }
0x2f: {  	_ =	shalt  }

</sc_bundles>
